<compile_context>
chip_gen: v7x
topology: tpu7x:2x2x1
jax: 0.10.2.dev20260603
libtpu: 0.0.44.dev20260713+nightly
codegen_flags: <defaults>
</compile_context>

<pallas_src>
import functools

import jax
import jax.numpy as jnp
from jax import lax
from jax.experimental import pallas as pl
from jax.experimental.pallas import tpu as pltpu
from jax.experimental.pallas import tpu_sc as plsc

D_MODEL = 1024
D_VOCAB = 100000
BATCH = 4
SEQ = 8192
B_TOTAL = BATCH * SEQ

_BV = 512


def _transpose_body(in_ref, out_ref):
    out_ref[...] = in_ref[...].T


def _transpose_table(w):
    nblk = pl.cdiv(D_VOCAB, _BV)
    return pl.pallas_call(
        _transpose_body,
        grid=(nblk,),
        in_specs=[pl.BlockSpec((D_MODEL, _BV), lambda i: (0, i))],
        out_specs=pl.BlockSpec((_BV, D_MODEL), lambda i: (i, 0)),
        out_shape=jax.ShapeDtypeStruct((D_VOCAB, D_MODEL), jnp.float32),
    )(w)


_NC = 2
_NS = 16
_NW = _NC * _NS
_B_PER_W = B_TOTAL // _NW
_CH = 64
_NCHUNK = _B_PER_W // _CH


def _sc_gather(table, idx):
    mesh = plsc.VectorSubcoreMesh(core_axis_name="c", subcore_axis_name="s")

    @functools.partial(
        pl.kernel,
        mesh=mesh,
        out_type=jax.ShapeDtypeStruct((B_TOTAL, D_MODEL), jnp.float32),
        scratch_types=[
            pltpu.VMEM((_CH,), jnp.int32),
            pltpu.VMEM((_CH, D_MODEL), jnp.float32),
            pltpu.SemaphoreType.DMA,
        ],
    )
    def k(table_hbm, idx_hbm, out_hbm, idx_v, rows_v, sem):
        wid = lax.axis_index("s") * _NC + lax.axis_index("c")
        base = wid * _B_PER_W

        def body(i, carry):
            off = base + i * _CH
            pltpu.sync_copy(idx_hbm.at[pl.ds(off, _CH)], idx_v)
            pltpu.async_copy(table_hbm.at[idx_v], rows_v, sem).wait()
            pltpu.sync_copy(rows_v, out_hbm.at[pl.ds(off, _CH)])
            return carry

        lax.fori_loop(0, _NCHUNK, body, 0)

    return k(table, idx)


def kernel(tokens, W_E):
    idx = tokens.reshape(-1).astype(jnp.int32)
    w_t = _transpose_table(W_E)
    out = _sc_gather(w_t, idx)
    return out.reshape(BATCH, SEQ, D_MODEL)

# --- scband reference (transcript-rebuilt; emitter-appended) ---
"""Pipeline reference for scband-embed-22016002359664 (READ-ONLY COPY).

The authoritative reference and input builder live on the scoring server;
editing this copy changes nothing except your own understanding.
"""

import jax, jax.numpy as jnp
import numpy as np

D_MODEL = 1024
D_VOCAB = 100000
BATCH = 4
SEQ = 8192

def setup_inputs(seed: int = 0) -> dict:
    key = jax.random.key(seed)
    k_tok, k_w = jax.random.split(key)
    tokens = jax.random.randint(k_tok, (BATCH, SEQ), 0, D_VOCAB, dtype=jnp.int64 if jax.config.jax_enable_x64 else jnp.int32)
    W_E = jax.random.normal(k_w, (D_MODEL, D_VOCAB), dtype=jnp.float32) * 0.02
    return {"tokens": tokens, "W_E": W_E}

def reference(tokens, W_E):
    # torch: W_E[:, tokens] -> [d_model, batch, pos]; rearrange to [batch, pos, d_model]
    gathered = jnp.take(W_E, tokens, axis=1)  # [d_model, batch, pos]
    return jnp.transpose(gathered, (1, 2, 0))  # [batch, pos, d_model]

if __name__ == "__main__":
    import jax
    _d = setup_inputs()
    print(jax.jit(kernel)(*tuple(_d.values())))

</pallas_src>

<mosaic_0001>
#map = affine_map<(d0, d1) -> (0, 0)>
#map1 = affine_map<(d0, d1) -> (0)>
module attributes {stable_mosaic.version = 14 : i64} {
  func.func @k(%arg0: i32, %arg1: i32, %arg2: memref<100000x1024xf32, #tpu.memory_space<hbm>>, %arg3: memref<32768xi32, #tpu.memory_space<hbm>>, %arg4: memref<32768x1024xf32, #tpu.memory_space<hbm>>, %arg5: memref<64xi32, #tpu.memory_space<vmem>>, %arg6: memref<64x1024xf32, #tpu.memory_space<vmem>>, %arg7: memref<!tpu.dma_semaphore, #tpu.memory_space<semaphore_mem>>) attributes {dimension_semantics = [#tpu.dimension_semantics<core_parallel>, #tpu.dimension_semantics<subcore_parallel>], iteration_bounds = array<i64: 2, 16>, scalar_prefetch = 0 : i64, scratch_operands = 3 : i64, tpu.core_type = #tpu.core_type<sc_vector_subcore>, window_params = [{transform_indices = #map}, {transform_indices = #map1}, {transform_indices = #map}]} {
    %mul3A = arith.constant 2 : i32
    %mul3A_0 = arith.muli %arg1, %mul3A : i32
    %add3A = arith.addi %mul3A_0, %arg0 : i32
    %mul3A_1 = arith.constant 1024 : i32
    %mul3A_2 = arith.muli %add3A, %mul3A_1 : i32
    %scan3A = arith.constant 0 : i32
    %scan3A_3 = arith.constant 0 : i32
    %scan3A_4 = arith.constant 16 : i32
    %scan3A_5 = arith.addi %scan3A_3, %scan3A_4 : i32
    %scan3A_6 = arith.constant 1 : i32
    scf.for %scan3A_8 = %scan3A_3 to %scan3A_5 step %scan3A_6  : i32 {
      %mul3A_9 = arith.constant 64 : i32
      %mul3A_10 = arith.muli %scan3A_8, %mul3A_9 : i32
      %add3A_11 = arith.addi %mul3A_2, %mul3A_10 : i32
      "tpu.region"() ({
        %run_scoped3A = tpu.sem_alloc : memref<!tpu.dma_semaphore, #tpu.memory_space<semaphore_mem>>
        %dma_start3A_16 = tpu.memref_slice %arg3[%add3A_11] : memref<32768xi32, #tpu.memory_space<hbm>> -> memref<64xi32, #tpu.memory_space<hbm>>
        %dma_start3A_17 = tpu.memref_slice %arg3[%add3A_11] : memref<32768xi32, #tpu.memory_space<hbm>> -> memref<64xi32, #tpu.memory_space<hbm>>
        tpu.enqueue_dma source(%dma_start3A_17 : memref<64xi32, #tpu.memory_space<hbm>>) target(%arg5 : memref<64xi32, #tpu.memory_space<vmem>>) target_semaphore(%run_scoped3A : memref<!tpu.dma_semaphore, #tpu.memory_space<semaphore_mem>>)
        %dma_wait3A_18 = tpu.memref_slice %arg3[%add3A_11] : memref<32768xi32, #tpu.memory_space<hbm>> -> memref<64xi32, #tpu.memory_space<hbm>>
        %dma_wait3A_19 = tpu.memref_slice %arg3[%add3A_11] : memref<32768xi32, #tpu.memory_space<hbm>> -> memref<64xi32, #tpu.memory_space<hbm>>
        tpu.wait_dma2 semaphore(%run_scoped3A : memref<!tpu.dma_semaphore, #tpu.memory_space<semaphore_mem>>) src(%dma_wait3A_19 : memref<64xi32, #tpu.memory_space<hbm>>) dst(%arg5 : memref<64xi32, #tpu.memory_space<vmem>>)
        tpu.yield
      }) : () -> ()
      %dma_start3A = arith.constant 0 : i32
      %dma_start3A_12 = arith.constant 0 : i32
      %dma_start3A_13 = tpu.memref_slice %arg2[%dma_start3A, %dma_start3A_12] : memref<100000x1024xf32, #tpu.memory_space<hbm>> -> memref<100000x1024xf32, #tpu.memory_space<hbm>>
      tpu.enqueue_indirect_dma source(%dma_start3A_13 : memref<100000x1024xf32, #tpu.memory_space<hbm>>) target(%arg6 : memref<64x1024xf32, #tpu.memory_space<vmem>>) offsets(%arg5 : memref<64xi32, #tpu.memory_space<vmem>>) semaphore(%arg7 : memref<!tpu.dma_semaphore, #tpu.memory_space<semaphore_mem>>)
      %dma_wait3A = arith.constant 0 : i32
      %dma_wait3A_14 = arith.constant 0 : i32
      %dma_wait3A_15 = tpu.memref_slice %arg2[%dma_wait3A, %dma_wait3A_14] : memref<100000x1024xf32, #tpu.memory_space<hbm>> -> memref<100000x1024xf32, #tpu.memory_space<hbm>>
      tpu.wait_indirect_dma semaphore(%arg7 : memref<!tpu.dma_semaphore, #tpu.memory_space<semaphore_mem>>) src(%dma_wait3A_15 : memref<100000x1024xf32, #tpu.memory_space<hbm>>) dst(%arg6 : memref<64x1024xf32, #tpu.memory_space<vmem>>)
      "tpu.region"() ({
        %run_scoped3A = tpu.sem_alloc : memref<!tpu.dma_semaphore, #tpu.memory_space<semaphore_mem>>
        %dma_start3A_16 = arith.constant 0 : i32
        %dma_start3A_17 = tpu.memref_slice %arg4[%add3A_11, %dma_start3A_16] : memref<32768x1024xf32, #tpu.memory_space<hbm>> -> memref<64x1024xf32, #tpu.memory_space<hbm>>
        %dma_start3A_18 = arith.constant 0 : i32
        %dma_start3A_19 = tpu.memref_slice %arg4[%add3A_11, %dma_start3A_18] : memref<32768x1024xf32, #tpu.memory_space<hbm>> -> memref<64x1024xf32, #tpu.memory_space<hbm>>
        tpu.enqueue_dma source(%arg6 : memref<64x1024xf32, #tpu.memory_space<vmem>>) target(%dma_start3A_19 : memref<64x1024xf32, #tpu.memory_space<hbm>>) target_semaphore(%run_scoped3A : memref<!tpu.dma_semaphore, #tpu.memory_space<semaphore_mem>>)
        %dma_wait3A_20 = arith.constant 0 : i32
        %dma_wait3A_21 = tpu.memref_slice %arg4[%add3A_11, %dma_wait3A_20] : memref<32768x1024xf32, #tpu.memory_space<hbm>> -> memref<64x1024xf32, #tpu.memory_space<hbm>>
        %dma_wait3A_22 = arith.constant 0 : i32
        %dma_wait3A_23 = tpu.memref_slice %arg4[%add3A_11, %dma_wait3A_22] : memref<32768x1024xf32, #tpu.memory_space<hbm>> -> memref<64x1024xf32, #tpu.memory_space<hbm>>
        tpu.wait_dma2 semaphore(%run_scoped3A : memref<!tpu.dma_semaphore, #tpu.memory_space<semaphore_mem>>) src(%arg6 : memref<64x1024xf32, #tpu.memory_space<vmem>>) dst(%dma_wait3A_23 : memref<64x1024xf32, #tpu.memory_space<hbm>>)
        tpu.yield
      }) : () -> ()
    }
    %scan3A_7 = arith.constant 16 : i32
    return
  }
}

module attributes {stable_mosaic.version = 14 : i64} {
  func.func @_transpose_body(%arg0: i32, %arg1: memref<1024x512xf32, #tpu.memory_space<vmem>>, %arg2: memref<512x1024xf32, #tpu.memory_space<vmem>>) attributes {dimension_semantics = [#tpu.dimension_semantics<arbitrary>], iteration_bounds = array<i64: 196>, scalar_prefetch = 0 : i64, scratch_operands = 0 : i64, tpu.core_type = #tpu.core_type<tc>, window_params = [{transform_indices = @transform_0, window_bounds = array<i64: 1024, 512>}, {transform_indices = @transform_1, window_bounds = array<i64: 512, 1024>}]} {
    %get3A = arith.constant 0 : index
    %get3A_0 = arith.constant 0 : index
    %get3A_1 = vector.load %arg1[%get3A, %get3A_0] : memref<1024x512xf32, #tpu.memory_space<vmem>>, vector<1024x512xf32>
    %transpose3A = tpu.transpose %get3A_1, [1, 0] : vector<1024x512xf32> -> vector<512x1024xf32>
    %swap3A = arith.constant 0 : index
    %swap3A_2 = arith.constant 0 : index
    %swap3A_3 = vector.load %arg2[%swap3A, %swap3A_2] : memref<512x1024xf32, #tpu.memory_space<vmem>>, vector<512x1024xf32>
    tpu.vector_store %arg2[%swap3A, %swap3A_2], %transpose3A {strides = array<i32>} : memref<512x1024xf32, #tpu.memory_space<vmem>>, vector<512x1024xf32>,
    return
  }
  func.func @transform_0(%arg0: i32) -> (i32, i32) {
    %c0_i32 = arith.constant 0 : i32
    %c0_i32_0 = arith.constant 0 : i32
    return %c0_i32, %arg0 : i32, i32
  }
  func.func @transform_1(%arg0: i32) -> (i32, i32) {
    %c0_i32 = arith.constant 0 : i32
    %c0_i32_0 = arith.constant 0 : i32
    return %arg0, %c0_i32 : i32, i32
  }
}

</mosaic_0001>

<sc_bundles>
// kernel: kernel.4.cloned.1.call-start
scs
__scs_entry_jumppad:
0x0: {  	(pc) =	sbr.rel $0x88, $3  }
0x1: {  	(tag) =	ssettag $0x0;
	lr =	simm.s32 $0x1  }
0x2: {  	[smem:$0x3F9F] =	sst lr;
	_ =	strace $0xD0000000  }
0x3: {  	_ = 	snop  }
0x4: {  	_ = 	snop  }
0x5: {  	_ = 	snop  }
0x6: {  	_ = 	snop  }
0x7: {  	_ = 	snop  }
__scs_overlays_trampoline_lowered:
0x8: {  	[smem:$0x3FAE] =	sst s0  }
0x9: {  	[smem:$0x3FAF] =	sst s1  }
0xa: {  	[smem:$0x3FB0] =	sst s2  }
0xb: {  	[smem:$0x3FB1] =	sst s3  }
0xc: {  	[smem:$0x3FB2] =	sst s4  }
0xd: {  	[smem:$0x3FB3] =	sst s5  }
0xe: {  	[smem:$0x3FB4] =	sst s6  }
0xf: {  	[smem:$0x3FB5] =	sst s7  }
0x10: {  	[smem:$0x3FB6] =	sst s8  }
0x11: {  	[smem:$0x3FB7] =	sst s9;
	s0 =	simm.s32 @!p0 $0x0  }
0x12: {  	s1 =	sld [smem:$0x3F9D];
	s0 =	simm.s32 @p0 $0x1  }
0x13: {  	[smem:$0x3FB8] =	sst s0;
	s0 =	simm.s32 @!p1 $0x0  }
0x14: {  	s2 =	sld [smem:$0x3F9C];
	s0 =	simm.s32 @p1 $0x1  }
0x15: {  	[smem:$0x3FB9] =	sst s0;
	s0 =	simm.s32 @!p2 $0x0  }
0x16: {  	s3 =	sld [smem:$0x3FDB];
	s0 =	simm.s32 @p2 $0x1  }
0x17: {  	s4 =	simm.s32 $0x1BF5;
	[smem:$0x3FBB] =	sst s0  }
0x18: {  	s0 =	sld [smem:$0x3F9E];
	_ =	swait.ge [sflag:s4], $0x0  }
0x19: {  	s7 =	sld [smem:$0x3F9F]  }
0x1a: {  	s8 =	sadd.s32 $0xFFFFE003, lr  }
0x1b: {  	s9 =	sadd.s32 $0xFFFFFEF7, lr;
	s5 =	simm.s32 $0xFFFFFFFF;
	p2 =	slt.u32 s8, $0xFFFFF086  }
0x1c: {  	p1 =	slt.u32 s9, $0xF7A;
	s5 =	simm.s32 @!p2 $0x0  }
0x1d: {  	s5 =	simm.s32 @p1 $0x1;
	p0 =	seq.s32 s7, s2  }
0x1e: {  	s7 =	smul.u32 @!p0 $0xF7A, s2;
	p2 =	seq.s32 @!p0 s5, $0x0  }
0x1f: {  	s9 =	smul.u32 $0xF7A, s1;
	s8 =	simm.s32 @!p0 $0x1BF5;
	p2 =	por !p2, p0  }
0x20: {  	[sflag:s8] =	ssyncset.s32 @!p0 $0xFFFFF086;
	s6 =	sadd.s32 @!p0 s3, s7;
	s7 =	simm.s32 @!p0 $0x108  }
0x21: {  	s3 =	sadd.s32 s3, s9;
	s6 =	sadd.s32 @!p0 $0x88, s6;
	s7 =	simm.s32 @p2 $0x1082  }
0x22: {  	[simem:s7], [sflag:s8] =	dma.local @!p0 [hbm:s6], $0xF7A  }
0x23: {  	s9 =	sor.u32 $0xD0000000, s2;
	s6 =	simm.s32 $0x108;
	_ =	swait.ge @!p0 [sflag:s8], $0x0  }
0x24: {  	s3 =	sadd.s32 $0x88, s3;
	s6 =	simm.s32 @!p1 $0x1082;
	[sflag:s4] =	ssyncset.s32 $0xFFFFF086  }
0x25: {  	[simem:s6], [sflag:s4] =	dma.local [hbm:s3], $0xF7A  }
0x26: {  	[smem:$0x3F9F] =	sst s1;
	(tag) =	ssettag s2;
	_ =	strace s9  }
0x27: {  	s1 =	sld [smem:$0x3FAF]  }
0x28: {  	s2 =	sld [smem:$0x3FB0]  }
0x29: {  	s4 =	sld [smem:$0x3FB2]  }
0x2a: {  	p0 =	seq.s32 s5, $0x0;
	s5 =	sld [smem:$0x3FB3]  }
0x2b: {  	s6 =	sld [smem:$0x3FB4]  }
0x2c: {  	s7 =	sld [smem:$0x3FB5]  }
0x2d: {  	s3 =	simm.s32 $0x108;
	s8 =	sld [smem:$0x3FB6]  }
0x2e: {  	s3 =	simm.s32 @!p0 $0x1082;
	s9 =	sld [smem:$0x3FB7]  }
0x2f: {  	lr =	sadd.s32 s0, s3;
	s0 =	sld [smem:$0x3FAE]  }
0x30: {  	s3 =	sld [smem:$0x3FB1]  }
0x31: {  	[smem:$0x3FBA] =	sst s10  }
0x32: {  	s10 =	sld [smem:$0x3FB8];
	_ =	sdelay $0x3  }
0x33: {  	p0 =	seq.s32 s10, $0x1;
	s10 =	sld [smem:$0x3FBA];
	_ =	sdelay $0x3  }
0x34: {  	[smem:$0x3FBA] =	sst s10  }
0x35: {  	s10 =	sld [smem:$0x3FB9];
	_ =	sdelay $0x3  }
0x36: {  	p1 =	seq.s32 s10, $0x1;
	s10 =	sld [smem:$0x3FBA];
	_ =	sdelay $0x3  }
0x37: {  	[smem:$0x3FBA] =	sst s10  }
0x38: {  	s10 =	sld [smem:$0x3FBB]  }
0x39: {  	_ = 	snop;
	(pc) =	sbr.ind lr, $3  }
0x3a: {  	_ = 	snop  }
0x3b: {  	_ = 	snop  }
0x3c: {  	p2 =	seq.s32 s10, $0x1;
	s10 =	sld [smem:$0x3FBA]  }
0x3d: {  	_ =	shalt  }
0x3e: {  	_ =	shalt  }
0x3f: {  	_ =	shalt  }
0x40: {  	_ =	shalt  }
0x41: {  	_ =	shalt  }
0x42: {  	_ =	shalt  }
0x43: {  	_ =	shalt  }
0x44: {  	_ =	shalt  }
0x45: {  	_ =	shalt  }
0x46: {  	_ =	shalt  }
0x47: {  	_ =	shalt  }
0x48: {  	_ =	shalt  }
0x49: {  	_ =	shalt  }
0x4a: {  	_ =	shalt  }
0x4b: {  	_ =	shalt  }
0x4c: {  	_ =	shalt  }
0x4d: {  	_ =	shalt  }
0x4e: {  	_ =	shalt  }
0x4f: {  	_ =	shalt  }
0x50: {  	_ =	shalt  }
0x51: {  	_ =	shalt  }
0x52: {  	_ =	shalt  }
0x53: {  	_ =	shalt  }
0x54: {  	_ =	shalt  }
0x55: {  	_ =	shalt  }
0x56: {  	_ =	shalt  }
0x57: {  	_ =	shalt  }
0x58: {  	_ =	shalt  }
0x59: {  	_ =	shalt  }
0x5a: {  	_ =	shalt  }
0x5b: {  	_ =	shalt  }
0x5c: {  	_ =	shalt  }
0x5d: {  	_ =	shalt  }
0x5e: {  	_ =	shalt  }
0x5f: {  	_ =	shalt  }
0x60: {  	_ =	shalt  }
0x61: {  	_ =	shalt  }
0x62: {  	_ =	shalt  }
0x63: {  	_ =	shalt  }
0x64: {  	_ =	shalt  }
0x65: {  	_ =	shalt  }
0x66: {  	_ =	shalt  }
0x67: {  	_ =	shalt  }
0x68: {  	_ =	shalt  }
0x69: {  	_ =	shalt  }
0x6a: {  	_ =	shalt  }
0x6b: {  	_ =	shalt  }
0x6c: {  	_ =	shalt  }
0x6d: {  	_ =	shalt  }
0x6e: {  	_ =	shalt  }
0x6f: {  	_ =	shalt  }
0x70: {  	_ =	shalt  }
0x71: {  	_ =	shalt  }
0x72: {  	_ =	shalt  }
0x73: {  	_ =	shalt  }
0x74: {  	_ =	shalt  }
0x75: {  	_ =	shalt  }
0x76: {  	_ =	shalt  }
0x77: {  	_ =	shalt  }
0x78: {  	_ =	shalt  }
0x79: {  	_ =	shalt  }
0x7a: {  	_ =	shalt  }
0x7b: {  	_ =	shalt  }
0x7c: {  	_ =	shalt  }
0x7d: {  	_ =	shalt  }
0x7e: {  	_ =	shalt  }
0x7f: {  	_ =	shalt  }
0x80: {  	_ =	shalt  }
0x81: {  	_ =	shalt  }
0x82: {  	_ =	shalt  }
0x83: {  	_ =	shalt  }
0x84: {  	_ =	shalt  }
0x85: {  	_ =	shalt  }
0x86: {  	_ =	shalt  }
0x87: {  	_ =	shalt  }
.Lfunc_end0:
.L_simem_size_0:
called_computation_lowered:
.L_overlay_start_0:
0x88: {  	s2 =	sld [smem:$0x3FD9]  }
0x89: {  	s3 =	sld [smem:$0x3FFE];
	_ =	sdelay $0x1  }
0x8a: {  	s1 =	srdreg.scid  }
0x8b: {  	s0 =	sand.u32 $0x1, s1  }
0x8c: {  	s17 =	sshll.u32 s0, $0xA;
	s2 =	sadd.s32 s3, s2  }
0x8d: {  	s2 =	sadd.s32 s2, s17  }
0x8e: {  	[smem:$0x3FC6] =	sst s2  }
0x8f: {  	_ = 	snop  }
0x90: {  	s2 =	sld [smem:$0x3FD0];
	(tm) =	ssettm $0x1  }
0x91: {  	s18 =	sld [smem:$0x3FFB];
	_ =	sdelay $0x3  }
0x92: {  	_ =	strace s18  }
0x93: {  	s3 =	sld [smem:$0x3FFC];
	_ =	sdelay $0x3  }
0x94: {  	_ =	strace s3  }
0x95: {  	s3 =	sld [smem:$0x3FFD];
	_ =	sdelay $0x3  }
0x96: {  	_ =	strace s3  }
0x97: {  	_ =	strace $0x8FFFFFFF  }
0x98: {  	s19 =	sld [smem:$0x3FDB];
	_ =	sdelay $0x1  }
0x99: {  	s4 =	simm.s32 $_scs_section_size  }
0x9a: {  	s5 =	simm.s32 $_size__tile_overlayer_lowered;
	s6 =	simm.s32 $_tile_overlayer_lowered  }
0x9b: {  	s22 =	simm.s32 $0x1BFF;
	s21 =	sshll.u32 s6, $0x1;
	s3 =	sadd.s32 s4, s19  }
0x9c: {  	s7 =	simm.s32 $0x0;
	s20 =	sshll.u32 s5, $0x1;
	s5 =	sadd.s32 s21, s3  }
0x9d: {  	[timem:s7], [sflag:s22] =	dma.local [hbm:s5], s20  }
0x9e: {  	_ =	swait.ge [sflag:s22], s20  }
0x9f: {  	s4 =	ssub.s32 $0x0, s20;
	[sflag:s22] =	ssyncset.done $0x0  }
0xa0: {  	[sflag:s22] =	ssyncadd.s32 s4;
	_ =	sdelay $0x1  }
0xa1: {  	s23 =	simm.s32 $0x1B8B  }
0xa2: {  	_ =	swait.ge [sflag:s23], $0x1  }
0xa3: {  	[sflag:s23] =	ssyncset.done $0x0  }
0xa4: {  	s25 =	simm.s32 $0x1B8E;
	s24 =	sld [smem:$0x3FFE];
	[sflag:s23] =	ssyncadd.s32 $0xFFFFFFFF  }
0xa5: {  	s26 =	simm.s32 $execute0_lowered;
	[smem:$0x3FD2] =	sst s25  }
0xa6: {  	s5 =	sshll.u32 s26, $0x1;
	_ =	strace $0x80000046;
	[dreg:$0x1] =	wrdreg $0xFFFFFFFF  }
0xa7: {  	s28 =	simm.s32 $_size_execute0_lowered;
	s3 =	sadd.s32 s3, s5;
	[dreg:$0x0] =	wrdreg $0x0  }
0xa8: {  	s5 =	sshll.u32 s28, $0x1;
	[dreg:$0x2] =	wrdreg s3  }
0xa9: {  	[dreg:$0x3] =	wrdreg s5  }
0xaa: {  	[dreg:$0x4] =	wrdreg $0xC0  }
0xab: {  	_ =	task [dreg:s7], $0x5FFFF  }
0xac: {  	[dreg:$0x1] =	wrdreg $0xFFFFFFFF  }
0xad: {  	[dreg:$0x0] =	wrdreg $0x60  }
0xae: {  	[dreg:$0x2] =	wrdreg s24  }
0xaf: {  	[dreg:$0x3] =	wrdreg s2  }
0xb0: {  	[dreg:$0x4] =	wrdreg $0x9  }
0xb1: {  	_ =	task.clear_ibuf [dreg:s7], $0x5FFFF;
	_ =	strace $0x90000046  }
0xb2: {  	s29 =	simm.s32 $0x9;
	_ =	strace $0x80000048  }
0xb3: {  	_ =	swait.ge [sflag:s29], $0x1  }
0xb4: {  	[sflag:s29] =	ssyncadd.s32 $0xFFFFFFFF  }
0xb5: {  	_ =	strace $0x90000048  }
0xb6: {  	_ =	sfence  }
0xb7: {  	s30 =	sld [smem:$0x0];
	_ =	sdelay $0x2  }
0xb8: {  	s31 =	sshll.u32 s1, $0xD;
	s1 =	sshrl.u32 s1, $0x2  }
0xb9: {  	s3 =	sand.u32 $0x4000, s31;
	s1 =	sadd.s32 s1, s30  }
0xba: {  	s0 =	sor.u32 s3, s0;
	s1 =	sshll.u32 s1, $0x11  }
0xbb: {  	s0 =	sor.u32 s1, s0  }
0xbc: {  	s0 =	sadd.s32 $0x8F2B, s0  }
0xbd: {  	[sflag:s0] =	ssyncadd.remote.s32 $0x1  }
0xbe: {  	_ =	sfence.sel $0xFFFF  }
0xbf: {  	[dreg:$0x0] =	wrdreg $0xFFFFFFFF;
	(pc) =	sbr.abs _section_cstart, $3  }
0xc0: {  	[dreg:$0x1] =	wrdreg $0xFFFFFFFF  }
0xc1: {  	_ =	task.clear_ibuf [dreg:s7], $0x2FFFF;
	_ =	strace $0x9FFFFFFF  }
0xc2: {  	(tm) =	ssettm $0x7FFFFFFF  }
0xc3: {  	_ =	shalt  }
tec
execute0_lowered:
.L_overlay_start_1:
0x0: {  	(tag) =	ssettag $0x1  }
0x1: {  	s0 =	srdreg.scid;
	s1 =	rddreg [dreg:$0x0]  }
0x2: {  	s10 =	stileid.u32;
	s8 =	rddreg [dreg:$0x1];
	s2 =	simm.s32 $0x0  }
0x3: {  	s14 =	simm.s32 $0x880;
	s15 =	simm.s32 $0x1080;
	s16 =	simm.s32 $0x1880  }
0x4: {  	s17 =	simm.s32 $0x2080;
	s9 =	simm.s32 $0x2880;
	[smem:$0x7FF] =	sst s2  }
0x5: {  	s18 =	simm.s32 $0x3080;
	_ =	strace $0x80000047;
	[dreg:$0x4] =	wrdreg s14  }
0x6: {  	s19 =	simm.s32 $0x3880;
	s21 =	simm.s32 $0x4080;
	[dreg:$0x5] =	wrdreg s15  }
0x7: {  	s22 =	simm.s32 $0x4880;
	s23 =	simm.s32 $0x5080;
	[dreg:$0x6] =	wrdreg s16  }
0x8: {  	s24 =	simm.s32 $0x5880;
	s25 =	simm.s32 $0x6080;
	[dreg:$0x7] =	wrdreg s17  }
0x9: {  	s26 =	simm.s32 $0x6880;
	s11 =	simm.s32 $0x7080;
	[dreg:$0x8] =	wrdreg s9  }
0xa: {  	s12 =	simm.s32 $0x7880;
	s28 =	simm.s32 $0xF080;
	[dreg:$0x9] =	wrdreg s18  }
0xb: {  	s29 =	simm.s32 $0xF880;
	s30 =	simm.s32 $0x1;
	[dreg:$0xa] =	wrdreg s19  }
0xc: {  	s31 =	simm.s32 $0x0;
	s0 =	sand.u32 $0x1, s0;
	[dreg:$0xb] =	wrdreg s21  }
0xd: {  	s3 =	sshll.u32 s10, $0xB;
	s20 =	sshll.u32 s10, $0x12;
	[dreg:$0xc] =	wrdreg s22  }
0xe: {  	s10 =	simm.s32 $0x80;
	s4 =	sshll.u32 s0, $0xA;
	[dreg:$0xd] =	wrdreg s23  }
0xf: {  	s5 =	ssub.s32 $0x2, s0;
	s8 =	sadd.s32 s20, s8;
	[dreg:$0xe] =	wrdreg s24  }
0x10: {  	s0 =	sshll.u32 s0, $0x11;
	s9 =	simm.s32 $0x2;
	[dreg:$0xf] =	wrdreg s25  }
0x11: {  	[dreg:$0x10] =	wrdreg s26;
	s14 =	simm.s32 $0x8880;
	s15 =	simm.s32 $0x9080  }
0x12: {  	s16 =	simm.s32 $0x9880;
	s17 =	simm.s32 $0xA080;
	s18 =	simm.s32 $0xA880  }
0x13: {  	s19 =	simm.s32 $0xB080;
	s20 =	simm.s32 $0xB880;
	s21 =	simm.s32 $0xC080  }
0x14: {  	s22 =	simm.s32 $0xC880;
	s23 =	simm.s32 $0xD080;
	s24 =	simm.s32 $0xD880  }
0x15: {  	s25 =	simm.s32 $0xE080;
	s26 =	simm.s32 $0xE880;
	s3 =	sor.u32 s4, s3  }
0x16: {  	s6 =	sshrl.u32 s5, $0x1;
	s0 =	sadd.s32 s0, s8;
	s3 =	sshrl.u32 s3, $0x3  }
0x17: {  	s7 =	ssub.s32 s5, s6;
	s5 =	sadd.s32 $0xC38800, s1;
	s6 =	sadd.s32 $0xC38900, s1  }
0x18: {  	v2 =	vlaneseq.u32;
	[dreg:$0x12] =	wrdreg s0;
	s13 =	sadd.s32 s3, s1;
	s7 =	smax.u32 s7, $0x1  }
0x19: {  	vm0 =	vmmov $0xffff;
	v1 =	vshrl.u32 v2, $0x3;
	s3 =	sadd.s32 $0xC38600, s1;
	s4 =	sadd.s32 $0x600, s13;
	[dreg:$0x11] =	wrdreg s7  }
0x1a: {  	v0 =	vand.u32 $0x7, v2;
	v2 =	vor.u32 $0x8, v2;
	v1 =	vmul.u32 $0x8, v1;
	s13 =	simm.s32 $0x8080;
	[dreg:$0x3] =	wrdreg s4;
	s4 =	sadd.s32 $0xC38700, s1  }
.LBB2_1:
0x1b: {  	s8 =	rddreg [dreg:$0x12];
	s0 =	simm.s32 $0x0  }
.LBB2_2:
0x1c: {  	s7 =	rddreg [dreg:$0x3]  }
0x1d: {  	s7 =	sadd.s32 s0, s7  }
0x1e: {  	[tilespmem:s2], [sflag:$0x2] =	stream.linear.gather [hbm4b:s7+s2], $0x40, $0x38;
	[tilespmem:$0x10080] =	vst v63  }
0x1f: {  	_ =	swait.ge [sflag:s9], $0x40  }
0x20: {  	[sflag:s9] =	ssyncset.done $0x0  }
0x21: {  	[sflag:s9] =	ssyncadd.s32 $0xFFFFFFC0  }
0x22: {  	v3 =	vld [tilespmem:$0x0];
	_ =	sdelay $0x4  }
0x23: {  	v4 =	vshll.u32 v3, $0x3  }
0x24: {  	v3 =	vand.u32 $0x7, v3;
	v4 =	vand.u32 $0xFFFFFFC0, v4  }
0x25: {  	v3 =	vor.u32 v3, v4  }
0x26: {  	v4 =	vperm.xlane v3, v0;
	_ =	sdelay $0x1  }
0x27: {  	v4 =	vadd.s32 v1, v4;
	_ =	sdelay $0x4  }
0x28: {  	[tilespmem:s10], [sflag:$0x1] =	stream.indirect_vreg.gather [hbm4b:s3+s2], $0x80, v4, vm0, $0xb8;
	[tilespmem:$0x10080] =	vst v63  }
0x29: {  	s7 =	rddreg [dreg:$0x4];
	v3 =	vperm.xlane v3, v2  }
0x2a: {  	[tilespmem:s7], [sflag:$0x1] =	stream.indirect_vreg.gather [hbm4b:s4+s2], $0x80, v4, vm0, $0xb8;
	[tilespmem:$0x10080] =	vst v63  }
0x2b: {  	s1 =	rddreg [dreg:$0x5];
	v3 =	vadd.s32 v1, v3  }
0x2c: {  	[tilespmem:s1], [sflag:$0x1] =	stream.indirect_vreg.gather [hbm4b:s5+s2], $0x80, v4, vm0, $0xb8;
	[tilespmem:$0x10080] =	vst v63  }
0x2d: {  	s7 =	rddreg [dreg:$0x6]  }
0x2e: {  	[tilespmem:s7], [sflag:$0x1] =	stream.indirect_vreg.gather [hbm4b:s6+s2], $0x80, v4, vm0, $0xb8;
	[tilespmem:$0x10080] =	vst v63  }
0x2f: {  	s1 =	rddreg [dreg:$0x7]  }
0x30: {  	[tilespmem:s1], [sflag:$0x1] =	stream.indirect_vreg.gather [hbm4b:s3+s2], $0x80, v3, vm0, $0xb8;
	[tilespmem:$0x10080] =	vst v63  }
0x31: {  	s7 =	rddreg [dreg:$0x8]  }
0x32: {  	[tilespmem:s7], [sflag:$0x1] =	stream.indirect_vreg.gather [hbm4b:s4+s2], $0x80, v3, vm0, $0xb8;
	[tilespmem:$0x10080] =	vst v63  }
0x33: {  	s1 =	rddreg [dreg:$0x9]  }
0x34: {  	[tilespmem:s1], [sflag:$0x1] =	stream.indirect_vreg.gather [hbm4b:s5+s2], $0x80, v3, vm0, $0xb8;
	[tilespmem:$0x10080] =	vst v63  }
0x35: {  	s7 =	rddreg [dreg:$0xa]  }
0x36: {  	[tilespmem:s7], [sflag:$0x1] =	stream.indirect_vreg.gather [hbm4b:s6+s2], $0x80, v3, vm0, $0xb8;
	[tilespmem:$0x10080] =	vst v63  }
0x37: {  	v3 =	vld [tilespmem:$0x10];
	_ =	sdelay $0x4  }
0x38: {  	v61 =	vshll.u32 v3, $0x3  }
0x39: {  	v3 =	vand.u32 $0x7, v3;
	v4 =	vand.u32 $0xFFFFFFC0, v61  }
0x3a: {  	v3 =	vor.u32 v3, v4  }
0x3b: {  	v4 =	vperm.xlane v3, v0;
	_ =	sdelay $0x1  }
0x3c: {  	v4 =	vadd.s32 v1, v4;
	_ =	sdelay $0x3  }
0x3d: {  	s1 =	rddreg [dreg:$0xb]  }
0x3e: {  	[tilespmem:s1], [sflag:$0x1] =	stream.indirect_vreg.gather [hbm4b:s3+s2], $0x80, v4, vm0, $0xb8;
	[tilespmem:$0x10080] =	vst v63  }
0x3f: {  	s7 =	rddreg [dreg:$0xc];
	v3 =	vperm.xlane v3, v2  }
0x40: {  	[tilespmem:s7], [sflag:$0x1] =	stream.indirect_vreg.gather [hbm4b:s4+s2], $0x80, v4, vm0, $0xb8;
	[tilespmem:$0x10080] =	vst v63  }
0x41: {  	v3 =	vadd.s32 v1, v3;
	s1 =	rddreg [dreg:$0xd]  }
0x42: {  	[tilespmem:s1], [sflag:$0x1] =	stream.indirect_vreg.gather [hbm4b:s5+s2], $0x80, v4, vm0, $0xb8;
	[tilespmem:$0x10080] =	vst v63  }
0x43: {  	s7 =	rddreg [dreg:$0xe]  }
0x44: {  	[tilespmem:s7], [sflag:$0x1] =	stream.indirect_vreg.gather [hbm4b:s6+s2], $0x80, v4, vm0, $0xb8;
	[tilespmem:$0x10080] =	vst v63  }
0x45: {  	s1 =	rddreg [dreg:$0xf]  }
0x46: {  	[tilespmem:s1], [sflag:$0x1] =	stream.indirect_vreg.gather [hbm4b:s3+s2], $0x80, v3, vm0, $0xb8;
	[tilespmem:$0x10080] =	vst v63  }
0x47: {  	s7 =	rddreg [dreg:$0x10]  }
0x48: {  	[tilespmem:s7], [sflag:$0x1] =	stream.indirect_vreg.gather [hbm4b:s4+s2], $0x80, v3, vm0, $0xb8;
	[tilespmem:$0x10080] =	vst v63  }
0x49: {  	_ = 	snop  }
0x4a: {  	[tilespmem:s11], [sflag:$0x1] =	stream.indirect_vreg.gather [hbm4b:s5+s2], $0x80, v3, vm0, $0xb8;
	[tilespmem:$0x10080] =	vst v63  }
0x4b: {  	_ = 	snop  }
0x4c: {  	[tilespmem:s12], [sflag:$0x1] =	stream.indirect_vreg.gather [hbm4b:s6+s2], $0x80, v3, vm0, $0xb8;
	[tilespmem:$0x10080] =	vst v63  }
0x4d: {  	v3 =	vld [tilespmem:$0x20];
	_ =	sdelay $0x4  }
0x4e: {  	v62 =	vshll.u32 v3, $0x3  }
0x4f: {  	v3 =	vand.u32 $0x7, v3;
	v4 =	vand.u32 $0xFFFFFFC0, v62  }
0x50: {  	v3 =	vor.u32 v3, v4  }
0x51: {  	v4 =	vperm.xlane v3, v0;
	_ =	sdelay $0x1  }
0x52: {  	v4 =	vadd.s32 v1, v4;
	_ =	sdelay $0x4  }
0x53: {  	[tilespmem:s13], [sflag:$0x1] =	stream.indirect_vreg.gather [hbm4b:s3+s2], $0x80, v4, vm0, $0xb8;
	[tilespmem:$0x10080] =	vst v63  }
0x54: {  	v3 =	vperm.xlane v3, v2  }
0x55: {  	[tilespmem:s14], [sflag:$0x1] =	stream.indirect_vreg.gather [hbm4b:s4+s2], $0x80, v4, vm0, $0xb8;
	[tilespmem:$0x10080] =	vst v63  }
0x56: {  	v3 =	vadd.s32 v1, v3  }
0x57: {  	[tilespmem:s15], [sflag:$0x1] =	stream.indirect_vreg.gather [hbm4b:s5+s2], $0x80, v4, vm0, $0xb8;
	[tilespmem:$0x10080] =	vst v63  }
0x58: {  	_ = 	snop  }
0x59: {  	[tilespmem:s16], [sflag:$0x1] =	stream.indirect_vreg.gather [hbm4b:s6+s2], $0x80, v4, vm0, $0xb8;
	[tilespmem:$0x10080] =	vst v63  }
0x5a: {  	_ = 	snop  }
0x5b: {  	[tilespmem:s17], [sflag:$0x1] =	stream.indirect_vreg.gather [hbm4b:s3+s2], $0x80, v3, vm0, $0xb8;
	[tilespmem:$0x10080] =	vst v63  }
0x5c: {  	_ = 	snop  }
0x5d: {  	[tilespmem:s18], [sflag:$0x1] =	stream.indirect_vreg.gather [hbm4b:s4+s2], $0x80, v3, vm0, $0xb8;
	[tilespmem:$0x10080] =	vst v63  }
0x5e: {  	_ = 	snop  }
0x5f: {  	[tilespmem:s19], [sflag:$0x1] =	stream.indirect_vreg.gather [hbm4b:s5+s2], $0x80, v3, vm0, $0xb8;
	[tilespmem:$0x10080] =	vst v63  }
0x60: {  	_ = 	snop  }
0x61: {  	[tilespmem:s20], [sflag:$0x1] =	stream.indirect_vreg.gather [hbm4b:s6+s2], $0x80, v3, vm0, $0xb8;
	[tilespmem:$0x10080] =	vst v63  }
0x62: {  	v3 =	vld [tilespmem:$0x30];
	_ =	sdelay $0x4  }
0x63: {  	v63 =	vshll.u32 v3, $0x3  }
0x64: {  	v3 =	vand.u32 $0x7, v3;
	v4 =	vand.u32 $0xFFFFFFC0, v63  }
0x65: {  	v3 =	vor.u32 v3, v4  }
0x66: {  	v4 =	vperm.xlane v3, v0;
	_ =	sdelay $0x1  }
0x67: {  	v4 =	vadd.s32 v1, v4;
	_ =	sdelay $0x4  }
0x68: {  	[tilespmem:s21], [sflag:$0x1] =	stream.indirect_vreg.gather [hbm4b:s3+s2], $0x80, v4, vm0, $0xb8;
	[tilespmem:$0x10080] =	vst v63  }
0x69: {  	v3 =	vperm.xlane v3, v2  }
0x6a: {  	[tilespmem:s22], [sflag:$0x1] =	stream.indirect_vreg.gather [hbm4b:s4+s2], $0x80, v4, vm0, $0xb8;
	[tilespmem:$0x10080] =	vst v63  }
0x6b: {  	v3 =	vadd.s32 v1, v3  }
0x6c: {  	[tilespmem:s23], [sflag:$0x1] =	stream.indirect_vreg.gather [hbm4b:s5+s2], $0x80, v4, vm0, $0xb8;
	[tilespmem:$0x10080] =	vst v63  }
0x6d: {  	_ = 	snop  }
0x6e: {  	[tilespmem:s24], [sflag:$0x1] =	stream.indirect_vreg.gather [hbm4b:s6+s2], $0x80, v4, vm0, $0xb8;
	[tilespmem:$0x10080] =	vst v63  }
0x6f: {  	_ = 	snop  }
0x70: {  	[tilespmem:s25], [sflag:$0x1] =	stream.indirect_vreg.gather [hbm4b:s3+s2], $0x80, v3, vm0, $0xb8;
	[tilespmem:$0x10080] =	vst v63  }
0x71: {  	_ = 	snop  }
0x72: {  	[tilespmem:s26], [sflag:$0x1] =	stream.indirect_vreg.gather [hbm4b:s4+s2], $0x80, v3, vm0, $0xb8;
	[tilespmem:$0x10080] =	vst v63  }
0x73: {  	_ = 	snop  }
0x74: {  	[tilespmem:s28], [sflag:$0x1] =	stream.indirect_vreg.gather [hbm4b:s5+s2], $0x80, v3, vm0, $0xb8;
	[tilespmem:$0x10080] =	vst v63  }
0x75: {  	_ = 	snop  }
0x76: {  	[tilespmem:s29], [sflag:$0x1] =	stream.indirect_vreg.gather [hbm4b:s6+s2], $0x80, v3, vm0, $0xb8;
	[tilespmem:$0x10080] =	vst v63  }
0x77: {  	_ =	swait.ge [sflag:s30], $0x10000  }
0x78: {  	p0 =	sne.s32 s0, $0x78;
	[sflag:s30] =	ssyncset.done $0x0  }
.Ltmp0:
0x79: {  	[sflag:s30] =	ssyncadd.s32 $0xFFFF0000;
	(pc) =	sbr.rel @p0 .LBB2_2-.Ltmp0, $4  }
0x7a: {  	[hbm4b:s8+s2] =	stream.linear.scatter [tilespmem:s10], [sflag:$0x2], $0x10000, $0x38;
	[tilespmem:$0x10080] =	vst v63  }
0x7b: {  	_ =	swait.ge [sflag:s9], $0x10000  }
0x7c: {  	[sflag:s9] =	ssyncset.done $0x0  }
0x7d: {  	s0 =	sadd.s32 $0x8, s0;
	s8 =	sadd.s32 $0x2000, s8;
	[sflag:s9] =	ssyncadd.s32 $0xFFFF0000  }
0x7e: {  	s31 =	sadd.s32 $0x1, s31;
	s0 =	rddreg [dreg:$0x11]  }
0x7f: {  	p0 =	sne.s32 s31, s0  }
.Ltmp1:
0x80: {  	_ = 	snop;
	(pc) =	sbr.rel @p0 .LBB2_1-.Ltmp1, $1  }
0x81: {  	_ =	sdelay $0x3  }
0x82: {  	_ =	sfence.sel $0x180000  }
0x83: {  	[bflag:$0x0] =	sbarrier.arrive $0xFFFF  }
0x84: {  	_ =	strace $0x90000047  }
0x85: {  	s0 =	stileid.u32;
	[bflag:$0x2] =	sbarrier.arrive $0xFFFF  }
0x86: {  	p0 =	sne.s32 s0, $0x0;
	s0 =	rddreg [dreg:$0x2]  }
0x87: {  	s0 =	sadd.s32 @!p0 $0x100000, s0  }
0x88: {  	[sflag:s0] =	ssyncadd.tile.s32 @!p0 $0x1;
	_ =	shalt  }
.Lfunc_end2:
_tile_overlayer_lowered:
.L_overlay_start_2:
0x89: {  	(tag) =	ssettag $0x2  }
0x8a: {  	s0 =	rddreg [dreg:$0x0];
	s2 =	stileid.u32  }
0x8b: {  	s1 =	rddreg [dreg:$0x1];
	p0 =	sne.s32 s2, $0x0  }
0x8c: {  	s3 =	rddreg [dreg:$0x2];
	[bflag:$0x3] =	sbarrier.arrive $0xFFFF;
	s2 =	simm.s32 @!p0 $0x1C02  }
0x8d: {  	[timem:s3], [sflag:s2] =	dma.local @!p0 [hbm:s0], s1  }
0x8e: {  	s0 =	simm.s32 @!p0 $0x2  }
0x8f: {  	_ =	swait.ge @!p0 [sflag:s0], s1  }
0x90: {  	s1 =	ssub.s32 @!p0 $0x0, s1;
	[sflag:s0] =	ssyncset.done @!p0 $0x0  }
0x91: {  	[sflag:s0] =	ssyncadd.s32 @!p0 s1  }
0x92: {  	[bflag:$0x3] =	sbarrier.arrive $0xFFFF  }
0x93: {  	_ =	shalt  }

</sc_bundles>
